<compile_context>
chip_gen: v7x
topology: tpu7x:2x2x1
jax: 0.10.2.dev20260603
libtpu: 0.0.44.dev20260713+nightly
codegen_flags: <defaults>
</compile_context>

<pallas_src>
import jax
import jax.numpy as jnp
from jax import lax
from jax.experimental import pallas as pl
from jax.experimental.pallas import tpu as pltpu
from jax.experimental.pallas import tpu_sc as plsc

_B, _H, _W = 8, 32, 32
_BETA = 1.0

_TN = 1024
_TK = 1024


def _argmin_body(x2_ref, e2_ref, x_ref, e_ref, idx_ref, ls_ref):
    xb = x_ref[...]
    x2 = x2_ref[...]
    nchunk = e_ref.shape[0] // _TK
    run_min = None
    run_c = None
    for c in range(nchunk):
        ec = e_ref[pl.ds(c * _TK, _TK), :]
        mm = lax.dot_general(xb, ec, (((1,), (1,)), ((), ())),
                             preferred_element_type=jnp.float32)
        d = (x2 + e2_ref[:, pl.ds(c * _TK, _TK)]) - 2.0 * mm
        if c == 0:
            run_min, run_c = d, None
        else:
            lt = d < run_min
            run_min = jnp.minimum(run_min, d)
            cv = jnp.full(d.shape, c, jnp.int32)
            run_c = jnp.where(lt, cv, run_c) if run_c is not None else \
                jnp.where(lt, cv, 0)
    m = jnp.min(run_min, axis=1, keepdims=True)
    jj = lax.broadcasted_iota(jnp.int32, run_min.shape, 1)
    kfull = (run_c << 10) + jj
    big = nchunk * _TK
    idx_ref[...] = jnp.min(jnp.where(run_min == m, kfull, big), axis=1)
    ls_ref[...] = jnp.full((1, 1, 128), jnp.sum(m), jnp.float32)


def _argmin_call(x2, e2, x, e, *, interpret=False):
    n, dd = x.shape
    k = e.shape[0]
    grid = (n // _TN,)
    return pl.pallas_call(
        _argmin_body,
        grid=grid,
        in_specs=[
            pl.BlockSpec((_TN, 1), lambda i: (i, 0)),
            pl.BlockSpec((1, k), lambda i: (0, 0)),
            pl.BlockSpec((_TN, dd), lambda i: (i, 0)),
            pl.BlockSpec((k, dd), lambda i: (0, 0)),
        ],
        out_specs=[
            pl.BlockSpec((_TN,), lambda i: (i,)),
            pl.BlockSpec((1, 1, 128), lambda i: (i, 0, 0)),
        ],
        out_shape=[
            jax.ShapeDtypeStruct((n,), jnp.int32),
            jax.ShapeDtypeStruct((n // _TN, 1, 128), jnp.float32),
        ],
        interpret=interpret,
    )(x2, e2, x, e)


_NC, _NS = 2, 16
_NW = _NC * _NS
_CH = 128


def _sc_gather(table, idx1d):
    k, d = table.shape
    n = idx1d.shape[0]
    rpw = n // _NW
    nch = rpw // _CH

    def body(table_hbm, idx_hbm, out_hbm, idx_v, rows_v, sem):
        wid = lax.axis_index("s") * _NC + lax.axis_index("c")
        base = wid * rpw
        for j in range(nch):
            pltpu.sync_copy(idx_hbm.at[pl.ds(base + j * _CH, _CH)], idx_v.at[j])
        cps = [pltpu.async_copy(table_hbm.at[idx_v.at[j]],
                                rows_v.at[pl.ds(j * _CH, _CH)], sem)
               for j in range(nch)]
        for cp in cps:
            cp.wait()
        pltpu.sync_copy(rows_v, out_hbm.at[pl.ds(base, rpw)])

    kern = pl.kernel(
        body,
        out_type=jax.ShapeDtypeStruct((n, d), jnp.float32),
        mesh=plsc.VectorSubcoreMesh(core_axis_name="c", subcore_axis_name="s"),
        scratch_types=[
            pltpu.VMEM((nch, _CH), jnp.int32),
            pltpu.VMEM((rpw, d), jnp.float32),
            pltpu.SemaphoreType.DMA,
        ],
    )
    return kern(table, idx1d)


def _trans_body(q_ref, qt_ref):
    qt_ref[0] = q_ref[...].T


def _trans_call(q, *, interpret=False):
    n, d = q.shape
    hw = _H * _W
    b = n // hw
    return pl.pallas_call(
        _trans_body,
        grid=(b,),
        in_specs=[pl.BlockSpec((hw, d), lambda i: (i, 0))],
        out_specs=pl.BlockSpec((1, d, hw), lambda i: (i, 0, 0)),
        out_shape=jax.ShapeDtypeStruct((b, d, hw), jnp.float32),
        interpret=interpret,
    )(q)


def kernel(x, B, H, W, embedding_weight):
    n, d = x.shape
    k = embedding_weight.shape[0]
    x2 = jnp.sum(x ** 2, axis=1, keepdims=True)
    e2 = jnp.sum(embedding_weight ** 2, axis=1)[None, :]

    idx, ls = _argmin_call(x2, e2, x, embedding_weight)
    q = _sc_gather(embedding_weight, idx)

    qt = _trans_call(q)
    loss = 2.0 * jnp.sum(ls[:, 0, 0]) / (n * d)
    return (loss, qt.reshape(_B, d, _H, _W), idx[:, None])

# --- scband reference (transcript-rebuilt; emitter-appended) ---
"""Pipeline reference for scband-codebook-17875653886031 (READ-ONLY COPY).

The authoritative reference and input builder live on the scoring server;
editing this copy changes nothing except your own understanding.
"""

import jax, jax.numpy as jnp
import numpy as np

K = 8192
D = 256
B = 8
H = 32
W = 32
BETA = 1.0

_B, _H, _W = B, H, W


def setup_inputs(seed: int = 0) -> dict:
    key = jax.random.key(seed)
    k1, k2 = jax.random.split(key)
    x = jax.random.normal(k1, (B * H * W, D), dtype=jnp.float32)
    embedding_weight = jax.random.uniform(k2, (K, D), minval=-1.0 / K, maxval=1.0 / K, dtype=jnp.float32)
    return {"x": x, "B": B, "H": H, "W": W, "embedding_weight": embedding_weight}


def reference(x, B, H, W, embedding_weight):
    # distances[n, k] = ||x_n||^2 + ||e_k||^2 - 2 <x_n, e_k>
    distances = (jnp.sum(x ** 2, axis=1, keepdims=True)
                 + jnp.sum(embedding_weight ** 2, axis=1)
                 - 2.0 * jnp.matmul(x, embedding_weight.T))
    encoding_indices = jnp.argmin(distances, axis=1)[:, None]
    encoding_indices = encoding_indices + (B + H + W) * 0
    N = encoding_indices.shape[0]
    encodings = jnp.zeros((N, K), dtype=x.dtype).at[jnp.arange(N), encoding_indices[:, 0]].set(1.0)
    quantized = jnp.matmul(encodings, embedding_weight).reshape(x.shape)
    e_latent_loss = jnp.mean((jax.lax.stop_gradient(quantized) - x) ** 2)
    q_latent_loss = jnp.mean((jax.lax.stop_gradient(x) - quantized) ** 2)
    loss = q_latent_loss + BETA * e_latent_loss
    quantized = x + jax.lax.stop_gradient(quantized - x)
    avg_probs = jnp.mean(encodings, axis=0)
    quantized = quantized.reshape(_B, _H, _W, D)
    quantized = jnp.transpose(quantized, (0, 3, 1, 2))
    return (loss, quantized, encoding_indices)

if __name__ == "__main__":
    import jax
    _d = setup_inputs()
    print(jax.jit(kernel)(*tuple(_d.values())))

</pallas_src>

<mosaic_0001>
#map = affine_map<(d0, d1) -> (0, 0)>
#map1 = affine_map<(d0, d1) -> (0)>
module attributes {stable_mosaic.version = 14 : i64} {
  func.func @body(%arg0: i32, %arg1: i32, %arg2: memref<8192x256xf32, #tpu.memory_space<hbm>>, %arg3: memref<8192xi32, #tpu.memory_space<hbm>>, %arg4: memref<8192x256xf32, #tpu.memory_space<hbm>>, %arg5: memref<2x128xi32, #tpu.memory_space<vmem>>, %arg6: memref<256x256xf32, #tpu.memory_space<vmem>>, %arg7: memref<!tpu.dma_semaphore, #tpu.memory_space<semaphore_mem>>) attributes {dimension_semantics = [#tpu.dimension_semantics<core_parallel>, #tpu.dimension_semantics<subcore_parallel>], iteration_bounds = array<i64: 2, 16>, scalar_prefetch = 0 : i64, scratch_operands = 3 : i64, tpu.core_type = #tpu.core_type<sc_vector_subcore>, window_params = [{transform_indices = #map}, {transform_indices = #map1}, {transform_indices = #map}]} {
    %mul3A = arith.constant 2 : i32
    %mul3A_0 = arith.muli %arg1, %mul3A : i32
    %add3A = arith.addi %mul3A_0, %arg0 : i32
    %mul3A_1 = arith.constant 256 : i32
    %mul3A_2 = arith.muli %add3A, %mul3A_1 : i32
    %add3A_3 = arith.constant 0 : i32
    %add3A_4 = arith.addi %mul3A_2, %add3A_3 : i32
    %run_scoped3A = arith.constant 0 : i32
    "tpu.region"() ({
      %run_scoped3A_46 = tpu.sem_alloc : memref<!tpu.dma_semaphore, #tpu.memory_space<semaphore_mem>>
      %dma_start3A_47 = arith.constant 0 : i32
      %dma_start3A_48 = tpu.memref_slice %arg5[%run_scoped3A, %dma_start3A_47] : memref<2x128xi32, #tpu.memory_space<vmem>> -> memref<1x128xi32, #tpu.memory_space<vmem>>
      %dma_start3A_49 = tpu.memref_squeeze %dma_start3A_48 : memref<1x128xi32, #tpu.memory_space<vmem>> -> memref<128xi32, #tpu.memory_space<vmem>>
      %dma_start3A_50 = tpu.memref_slice %arg3[%add3A_4] : memref<8192xi32, #tpu.memory_space<hbm>> -> memref<128xi32, #tpu.memory_space<hbm>>
      %dma_start3A_51 = arith.constant 0 : i32
      %dma_start3A_52 = tpu.memref_slice %arg5[%run_scoped3A, %dma_start3A_51] : memref<2x128xi32, #tpu.memory_space<vmem>> -> memref<1x128xi32, #tpu.memory_space<vmem>>
      %dma_start3A_53 = tpu.memref_squeeze %dma_start3A_52 : memref<1x128xi32, #tpu.memory_space<vmem>> -> memref<128xi32, #tpu.memory_space<vmem>>
      %dma_start3A_54 = tpu.memref_slice %arg3[%add3A_4] : memref<8192xi32, #tpu.memory_space<hbm>> -> memref<128xi32, #tpu.memory_space<hbm>>
      tpu.enqueue_dma source(%dma_start3A_54 : memref<128xi32, #tpu.memory_space<hbm>>) target(%dma_start3A_53 : memref<128xi32, #tpu.memory_space<vmem>>) target_semaphore(%run_scoped3A_46 : memref<!tpu.dma_semaphore, #tpu.memory_space<semaphore_mem>>)
      %dma_wait3A_55 = arith.constant 0 : i32
      %dma_wait3A_56 = tpu.memref_slice %arg5[%run_scoped3A, %dma_wait3A_55] : memref<2x128xi32, #tpu.memory_space<vmem>> -> memref<1x128xi32, #tpu.memory_space<vmem>>
      %dma_wait3A_57 = tpu.memref_squeeze %dma_wait3A_56 : memref<1x128xi32, #tpu.memory_space<vmem>> -> memref<128xi32, #tpu.memory_space<vmem>>
      %dma_wait3A_58 = tpu.memref_slice %arg3[%add3A_4] : memref<8192xi32, #tpu.memory_space<hbm>> -> memref<128xi32, #tpu.memory_space<hbm>>
      %dma_wait3A_59 = arith.constant 0 : i32
      %dma_wait3A_60 = tpu.memref_slice %arg5[%run_scoped3A, %dma_wait3A_59] : memref<2x128xi32, #tpu.memory_space<vmem>> -> memref<1x128xi32, #tpu.memory_space<vmem>>
      %dma_wait3A_61 = tpu.memref_squeeze %dma_wait3A_60 : memref<1x128xi32, #tpu.memory_space<vmem>> -> memref<128xi32, #tpu.memory_space<vmem>>
      %dma_wait3A_62 = tpu.memref_slice %arg3[%add3A_4] : memref<8192xi32, #tpu.memory_space<hbm>> -> memref<128xi32, #tpu.memory_space<hbm>>
      tpu.wait_dma2 semaphore(%run_scoped3A_46 : memref<!tpu.dma_semaphore, #tpu.memory_space<semaphore_mem>>) src(%dma_wait3A_62 : memref<128xi32, #tpu.memory_space<hbm>>) dst(%dma_wait3A_61 : memref<128xi32, #tpu.memory_space<vmem>>)
      tpu.yield
    }) : () -> ()
    %add3A_5 = arith.constant 128 : i32
    %add3A_6 = arith.addi %mul3A_2, %add3A_5 : i32
    %run_scoped3A_7 = arith.constant 1 : i32
    "tpu.region"() ({
      %run_scoped3A_46 = tpu.sem_alloc : memref<!tpu.dma_semaphore, #tpu.memory_space<semaphore_mem>>
      %dma_start3A_47 = arith.constant 0 : i32
      %dma_start3A_48 = tpu.memref_slice %arg5[%run_scoped3A_7, %dma_start3A_47] : memref<2x128xi32, #tpu.memory_space<vmem>> -> memref<1x128xi32, #tpu.memory_space<vmem>>
      %dma_start3A_49 = tpu.memref_squeeze %dma_start3A_48 : memref<1x128xi32, #tpu.memory_space<vmem>> -> memref<128xi32, #tpu.memory_space<vmem>>
      %dma_start3A_50 = tpu.memref_slice %arg3[%add3A_6] : memref<8192xi32, #tpu.memory_space<hbm>> -> memref<128xi32, #tpu.memory_space<hbm>>
      %dma_start3A_51 = arith.constant 0 : i32
      %dma_start3A_52 = tpu.memref_slice %arg5[%run_scoped3A_7, %dma_start3A_51] : memref<2x128xi32, #tpu.memory_space<vmem>> -> memref<1x128xi32, #tpu.memory_space<vmem>>
      %dma_start3A_53 = tpu.memref_squeeze %dma_start3A_52 : memref<1x128xi32, #tpu.memory_space<vmem>> -> memref<128xi32, #tpu.memory_space<vmem>>
      %dma_start3A_54 = tpu.memref_slice %arg3[%add3A_6] : memref<8192xi32, #tpu.memory_space<hbm>> -> memref<128xi32, #tpu.memory_space<hbm>>
      tpu.enqueue_dma source(%dma_start3A_54 : memref<128xi32, #tpu.memory_space<hbm>>) target(%dma_start3A_53 : memref<128xi32, #tpu.memory_space<vmem>>) target_semaphore(%run_scoped3A_46 : memref<!tpu.dma_semaphore, #tpu.memory_space<semaphore_mem>>)
      %dma_wait3A_55 = arith.constant 0 : i32
      %dma_wait3A_56 = tpu.memref_slice %arg5[%run_scoped3A_7, %dma_wait3A_55] : memref<2x128xi32, #tpu.memory_space<vmem>> -> memref<1x128xi32, #tpu.memory_space<vmem>>
      %dma_wait3A_57 = tpu.memref_squeeze %dma_wait3A_56 : memref<1x128xi32, #tpu.memory_space<vmem>> -> memref<128xi32, #tpu.memory_space<vmem>>
      %dma_wait3A_58 = tpu.memref_slice %arg3[%add3A_6] : memref<8192xi32, #tpu.memory_space<hbm>> -> memref<128xi32, #tpu.memory_space<hbm>>
      %dma_wait3A_59 = arith.constant 0 : i32
      %dma_wait3A_60 = tpu.memref_slice %arg5[%run_scoped3A_7, %dma_wait3A_59] : memref<2x128xi32, #tpu.memory_space<vmem>> -> memref<1x128xi32, #tpu.memory_space<vmem>>
      %dma_wait3A_61 = tpu.memref_squeeze %dma_wait3A_60 : memref<1x128xi32, #tpu.memory_space<vmem>> -> memref<128xi32, #tpu.memory_space<vmem>>
      %dma_wait3A_62 = tpu.memref_slice %arg3[%add3A_6] : memref<8192xi32, #tpu.memory_space<hbm>> -> memref<128xi32, #tpu.memory_space<hbm>>
      tpu.wait_dma2 semaphore(%run_scoped3A_46 : memref<!tpu.dma_semaphore, #tpu.memory_space<semaphore_mem>>) src(%dma_wait3A_62 : memref<128xi32, #tpu.memory_space<hbm>>) dst(%dma_wait3A_61 : memref<128xi32, #tpu.memory_space<vmem>>)
      tpu.yield
    }) : () -> ()
    %dma_start3A = arith.constant 0 : i32
    %dma_start3A_8 = arith.constant 0 : i32
    %dma_start3A_9 = arith.constant 0 : i32
    %dma_start3A_10 = tpu.memref_slice %arg6[%dma_start3A_8, %dma_start3A_9] : memref<256x256xf32, #tpu.memory_space<vmem>> -> memref<128x256xf32, #tpu.memory_space<vmem>>
    %dma_start3A_11 = arith.constant 0 : i32
    %dma_start3A_12 = tpu.memref_slice %arg5[%dma_start3A, %dma_start3A_11] : memref<2x128xi32, #tpu.memory_space<vmem>> -> memref<1x128xi32, #tpu.memory_space<vmem>>
    %dma_start3A_13 = tpu.memref_squeeze %dma_start3A_12 : memref<1x128xi32, #tpu.memory_space<vmem>> -> memref<128xi32, #tpu.memory_space<vmem>>
    %dma_start3A_14 = arith.constant 0 : i32
    %dma_start3A_15 = arith.constant 0 : i32
    %dma_start3A_16 = tpu.memref_slice %arg2[%dma_start3A_14, %dma_start3A_15] : memref<8192x256xf32, #tpu.memory_space<hbm>> -> memref<8192x256xf32, #tpu.memory_space<hbm>>
    tpu.enqueue_indirect_dma source(%dma_start3A_16 : memref<8192x256xf32, #tpu.memory_space<hbm>>) target(%dma_start3A_10 : memref<128x256xf32, #tpu.memory_space<vmem>>) offsets(%dma_start3A_13 : memref<128xi32, #tpu.memory_space<vmem>>) semaphore(%arg7 : memref<!tpu.dma_semaphore, #tpu.memory_space<semaphore_mem>>)
    %dma_start3A_17 = arith.constant 1 : i32
    %dma_start3A_18 = arith.constant 128 : i32
    %dma_start3A_19 = arith.constant 0 : i32
    %dma_start3A_20 = tpu.memref_slice %arg6[%dma_start3A_18, %dma_start3A_19] : memref<256x256xf32, #tpu.memory_space<vmem>> -> memref<128x256xf32, #tpu.memory_space<vmem>>
    %dma_start3A_21 = arith.constant 0 : i32
    %dma_start3A_22 = tpu.memref_slice %arg5[%dma_start3A_17, %dma_start3A_21] : memref<2x128xi32, #tpu.memory_space<vmem>> -> memref<1x128xi32, #tpu.memory_space<vmem>>
    %dma_start3A_23 = tpu.memref_squeeze %dma_start3A_22 : memref<1x128xi32, #tpu.memory_space<vmem>> -> memref<128xi32, #tpu.memory_space<vmem>>
    %dma_start3A_24 = arith.constant 0 : i32
    %dma_start3A_25 = arith.constant 0 : i32
    %dma_start3A_26 = tpu.memref_slice %arg2[%dma_start3A_24, %dma_start3A_25] : memref<8192x256xf32, #tpu.memory_space<hbm>> -> memref<8192x256xf32, #tpu.memory_space<hbm>>
    tpu.enqueue_indirect_dma source(%dma_start3A_26 : memref<8192x256xf32, #tpu.memory_space<hbm>>) target(%dma_start3A_20 : memref<128x256xf32, #tpu.memory_space<vmem>>) offsets(%dma_start3A_23 : memref<128xi32, #tpu.memory_space<vmem>>) semaphore(%arg7 : memref<!tpu.dma_semaphore, #tpu.memory_space<semaphore_mem>>)
    %dma_wait3A = arith.constant 0 : i32
    %dma_wait3A_27 = arith.constant 0 : i32
    %dma_wait3A_28 = arith.constant 0 : i32
    %dma_wait3A_29 = tpu.memref_slice %arg6[%dma_wait3A_27, %dma_wait3A_28] : memref<256x256xf32, #tpu.memory_space<vmem>> -> memref<128x256xf32, #tpu.memory_space<vmem>>
    %dma_wait3A_30 = arith.constant 0 : i32
    %dma_wait3A_31 = tpu.memref_slice %arg5[%dma_wait3A, %dma_wait3A_30] : memref<2x128xi32, #tpu.memory_space<vmem>> -> memref<1x128xi32, #tpu.memory_space<vmem>>
    %dma_wait3A_32 = tpu.memref_squeeze %dma_wait3A_31 : memref<1x128xi32, #tpu.memory_space<vmem>> -> memref<128xi32, #tpu.memory_space<vmem>>
    %dma_wait3A_33 = arith.constant 0 : i32
    %dma_wait3A_34 = arith.constant 0 : i32
    %dma_wait3A_35 = tpu.memref_slice %arg2[%dma_wait3A_33, %dma_wait3A_34] : memref<8192x256xf32, #tpu.memory_space<hbm>> -> memref<8192x256xf32, #tpu.memory_space<hbm>>
    tpu.wait_indirect_dma semaphore(%arg7 : memref<!tpu.dma_semaphore, #tpu.memory_space<semaphore_mem>>) src(%dma_wait3A_35 : memref<8192x256xf32, #tpu.memory_space<hbm>>) dst(%dma_wait3A_29 : memref<128x256xf32, #tpu.memory_space<vmem>>)
    %dma_wait3A_36 = arith.constant 1 : i32
    %dma_wait3A_37 = arith.constant 128 : i32
    %dma_wait3A_38 = arith.constant 0 : i32
    %dma_wait3A_39 = tpu.memref_slice %arg6[%dma_wait3A_37, %dma_wait3A_38] : memref<256x256xf32, #tpu.memory_space<vmem>> -> memref<128x256xf32, #tpu.memory_space<vmem>>
    %dma_wait3A_40 = arith.constant 0 : i32
    %dma_wait3A_41 = tpu.memref_slice %arg5[%dma_wait3A_36, %dma_wait3A_40] : memref<2x128xi32, #tpu.memory_space<vmem>> -> memref<1x128xi32, #tpu.memory_space<vmem>>
    %dma_wait3A_42 = tpu.memref_squeeze %dma_wait3A_41 : memref<1x128xi32, #tpu.memory_space<vmem>> -> memref<128xi32, #tpu.memory_space<vmem>>
    %dma_wait3A_43 = arith.constant 0 : i32
    %dma_wait3A_44 = arith.constant 0 : i32
    %dma_wait3A_45 = tpu.memref_slice %arg2[%dma_wait3A_43, %dma_wait3A_44] : memref<8192x256xf32, #tpu.memory_space<hbm>> -> memref<8192x256xf32, #tpu.memory_space<hbm>>
    tpu.wait_indirect_dma semaphore(%arg7 : memref<!tpu.dma_semaphore, #tpu.memory_space<semaphore_mem>>) src(%dma_wait3A_45 : memref<8192x256xf32, #tpu.memory_space<hbm>>) dst(%dma_wait3A_39 : memref<128x256xf32, #tpu.memory_space<vmem>>)
    "tpu.region"() ({
      %run_scoped3A_46 = tpu.sem_alloc : memref<!tpu.dma_semaphore, #tpu.memory_space<semaphore_mem>>
      %dma_start3A_47 = arith.constant 0 : i32
      %dma_start3A_48 = tpu.memref_slice %arg4[%mul3A_2, %dma_start3A_47] : memref<8192x256xf32, #tpu.memory_space<hbm>> -> memref<256x256xf32, #tpu.memory_space<hbm>>
      %dma_start3A_49 = arith.constant 0 : i32
      %dma_start3A_50 = tpu.memref_slice %arg4[%mul3A_2, %dma_start3A_49] : memref<8192x256xf32, #tpu.memory_space<hbm>> -> memref<256x256xf32, #tpu.memory_space<hbm>>
      tpu.enqueue_dma source(%arg6 : memref<256x256xf32, #tpu.memory_space<vmem>>) target(%dma_start3A_50 : memref<256x256xf32, #tpu.memory_space<hbm>>) target_semaphore(%run_scoped3A_46 : memref<!tpu.dma_semaphore, #tpu.memory_space<semaphore_mem>>)
      %dma_wait3A_51 = arith.constant 0 : i32
      %dma_wait3A_52 = tpu.memref_slice %arg4[%mul3A_2, %dma_wait3A_51] : memref<8192x256xf32, #tpu.memory_space<hbm>> -> memref<256x256xf32, #tpu.memory_space<hbm>>
      %dma_wait3A_53 = arith.constant 0 : i32
      %dma_wait3A_54 = tpu.memref_slice %arg4[%mul3A_2, %dma_wait3A_53] : memref<8192x256xf32, #tpu.memory_space<hbm>> -> memref<256x256xf32, #tpu.memory_space<hbm>>
      tpu.wait_dma2 semaphore(%run_scoped3A_46 : memref<!tpu.dma_semaphore, #tpu.memory_space<semaphore_mem>>) src(%arg6 : memref<256x256xf32, #tpu.memory_space<vmem>>) dst(%dma_wait3A_54 : memref<256x256xf32, #tpu.memory_space<hbm>>)
      tpu.yield
    }) : () -> ()
    return
  }
}

module attributes {stable_mosaic.version = 14 : i64} {
  func.func @_argmin_body(%arg0: i32, %arg1: memref<1024x1xf32, #tpu.memory_space<vmem>>, %arg2: memref<1x8192xf32, #tpu.memory_space<vmem>>, %arg3: memref<1024x256xf32, #tpu.memory_space<vmem>>, %arg4: memref<8192x256xf32, #tpu.memory_space<vmem>>, %arg5: memref<1024xi32, #tpu.memory_space<vmem>>, %arg6: memref<1x1x128xf32, #tpu.memory_space<vmem>>) attributes {dimension_semantics = [#tpu.dimension_semantics<arbitrary>], iteration_bounds = array<i64: 8>, scalar_prefetch = 0 : i64, scratch_operands = 0 : i64, tpu.core_type = #tpu.core_type<tc>, window_params = [{transform_indices = @transform_0, window_bounds = array<i64: 1024, 1>}, {pipeline_mode = #tpu.pipeline_mode<synchronous>, transform_indices = @transform_1, window_bounds = array<i64: 1, 8192>}, {transform_indices = @transform_2, window_bounds = array<i64: 1024, 256>}, {pipeline_mode = #tpu.pipeline_mode<synchronous>, transform_indices = @transform_3, window_bounds = array<i64: 8192, 256>}, {transform_indices = @transform_4, window_bounds = array<i64: 1024>}, {transform_indices = @transform_5, window_bounds = array<i64: 1, 1, 128>}]} {
    %get3A = arith.constant 0 : index
    %get3A_0 = arith.constant 0 : index
    %get3A_1 = vector.load %arg3[%get3A, %get3A_0] : memref<1024x256xf32, #tpu.memory_space<vmem>>, vector<1024x256xf32>
    %get3A_2 = arith.constant 0 : index
    %get3A_3 = arith.constant 0 : index
    %get3A_4 = vector.load %arg1[%get3A_2, %get3A_3] : memref<1024x1xf32, #tpu.memory_space<vmem>>, vector<1024x1xf32>
    %get3A_5 = arith.constant 0 : index
    %get3A_6 = arith.constant 0 : index
    %get3A_7 = vector.load %arg4[%get3A_5, %get3A_6] : memref<8192x256xf32, #tpu.memory_space<vmem>>, vector<1024x256xf32>
    %dot_general3A = arith.constant dense<0.000000e+00> : vector<1024x1024xf32>
    %dot_general3A_8 = tpu.matmul %get3A_1, %get3A_7, %dot_general3A {dimension_numbers = #tpu.dot_dimension_numbers<[1], [1], [0], [0], [0, 0, 1, 0], [], []>, transpose_lhs_hint = false} : vector<1024x256xf32>, vector<1024x256xf32>, vector<1024x1024xf32> -> vector<1024x1024xf32>
    %get3A_9 = arith.constant 0 : index
    %get3A_10 = arith.constant 0 : index
    %get3A_11 = vector.load %arg2[%get3A_9, %get3A_10] : memref<1x8192xf32, #tpu.memory_space<vmem>>, vector<1x1024xf32>
    %add3A = vector.broadcast %get3A_4 : vector<1024x1xf32> to vector<1024x1024xf32>
    %add3A_12 = vector.broadcast %get3A_11 : vector<1x1024xf32> to vector<1024x1024xf32>
    %add3A_13 = arith.addf %add3A, %add3A_12 : vector<1024x1024xf32>
    %mul3A = arith.constant 2.000000e+00 : f32
    %mul3A_14 = vector.broadcast %mul3A : f32 to vector<1024x1024xf32>
    %mul3A_15 = arith.mulf %mul3A_14, %dot_general3A_8 : vector<1024x1024xf32>
    %sub3A = arith.subf %add3A_13, %mul3A_15 : vector<1024x1024xf32>
    %get3A_16 = arith.constant 1024 : index
    %get3A_17 = arith.constant 0 : index
    %get3A_18 = vector.load %arg4[%get3A_16, %get3A_17] : memref<8192x256xf32, #tpu.memory_space<vmem>>, vector<1024x256xf32>
    %dot_general3A_19 = arith.constant dense<0.000000e+00> : vector<1024x1024xf32>
    %dot_general3A_20 = tpu.matmul %get3A_1, %get3A_18, %dot_general3A_19 {dimension_numbers = #tpu.dot_dimension_numbers<[1], [1], [0], [0], [0, 0, 1, 0], [], []>, transpose_lhs_hint = false} : vector<1024x256xf32>, vector<1024x256xf32>, vector<1024x1024xf32> -> vector<1024x1024xf32>
    %get3A_21 = arith.constant 0 : index
    %get3A_22 = arith.constant 1024 : index
    %get3A_23 = vector.load %arg2[%get3A_21, %get3A_22] : memref<1x8192xf32, #tpu.memory_space<vmem>>, vector<1x1024xf32>
    %add3A_24 = vector.broadcast %get3A_4 : vector<1024x1xf32> to vector<1024x1024xf32>
    %add3A_25 = vector.broadcast %get3A_23 : vector<1x1024xf32> to vector<1024x1024xf32>
    %add3A_26 = arith.addf %add3A_24, %add3A_25 : vector<1024x1024xf32>
    %mul3A_27 = arith.constant 2.000000e+00 : f32
    %mul3A_28 = vector.broadcast %mul3A_27 : f32 to vector<1024x1024xf32>
    %mul3A_29 = arith.mulf %mul3A_28, %dot_general3A_20 : vector<1024x1024xf32>
    %sub3A_30 = arith.subf %add3A_26, %mul3A_29 : vector<1024x1024xf32>
    %lt3A = arith.cmpf olt, %sub3A_30, %sub3A : vector<1024x1024xf32>
    %min3A = arith.minimumf %sub3A, %sub3A_30 : vector<1024x1024xf32>
    %broadcast_in_dim3A = arith.constant 1 : i32
    %broadcast_in_dim3A_31 = vector.broadcast %broadcast_in_dim3A : i32 to vector<1024x1024xi32>
    %jit3A = arith.constant 0 : i32
    %broadcast_in_dim3A_32 = vector.broadcast %jit3A : i32 to vector<1024x1024xi32>
    %select_n3A = arith.select %lt3A, %broadcast_in_dim3A_31, %broadcast_in_dim3A_32 : vector<1024x1024xi1>, vector<1024x1024xi32>
    %get3A_33 = arith.constant 2048 : index
    %get3A_34 = arith.constant 0 : index
    %get3A_35 = vector.load %arg4[%get3A_33, %get3A_34] : memref<8192x256xf32, #tpu.memory_space<vmem>>, vector<1024x256xf32>
    %dot_general3A_36 = arith.constant dense<0.000000e+00> : vector<1024x1024xf32>
    %dot_general3A_37 = tpu.matmul %get3A_1, %get3A_35, %dot_general3A_36 {dimension_numbers = #tpu.dot_dimension_numbers<[1], [1], [0], [0], [0, 0, 1, 0], [], []>, transpose_lhs_hint = false} : vector<1024x256xf32>, vector<1024x256xf32>, vector<1024x1024xf32> -> vector<1024x1024xf32>
    %get3A_38 = arith.constant 0 : index
    %get3A_39 = arith.constant 2048 : index
    %get3A_40 = vector.load %arg2[%get3A_38, %get3A_39] : memref<1x8192xf32, #tpu.memory_space<vmem>>, vector<1x1024xf32>
    %add3A_41 = vector.broadcast %get3A_4 : vector<1024x1xf32> to vector<1024x1024xf32>
    %add3A_42 = vector.broadcast %get3A_40 : vector<1x1024xf32> to vector<1024x1024xf32>
    %add3A_43 = arith.addf %add3A_41, %add3A_42 : vector<1024x1024xf32>
    %mul3A_44 = arith.constant 2.000000e+00 : f32
    %mul3A_45 = vector.broadcast %mul3A_44 : f32 to vector<1024x1024xf32>
    %mul3A_46 = arith.mulf %mul3A_45, %dot_general3A_37 : vector<1024x1024xf32>
    %sub3A_47 = arith.subf %add3A_43, %mul3A_46 : vector<1024x1024xf32>
    %lt3A_48 = arith.cmpf olt, %sub3A_47, %min3A : vector<1024x1024xf32>
    %min3A_49 = arith.minimumf %min3A, %sub3A_47 : vector<1024x1024xf32>
    %broadcast_in_dim3A_50 = arith.constant 2 : i32
    %broadcast_in_dim3A_51 = vector.broadcast %broadcast_in_dim3A_50 : i32 to vector<1024x1024xi32>
    %select_n3A_52 = arith.select %lt3A_48, %broadcast_in_dim3A_51, %select_n3A : vector<1024x1024xi1>, vector<1024x1024xi32>
    %get3A_53 = arith.constant 3072 : index
    %get3A_54 = arith.constant 0 : index
    %get3A_55 = vector.load %arg4[%get3A_53, %get3A_54] : memref<8192x256xf32, #tpu.memory_space<vmem>>, vector<1024x256xf32>
    %dot_general3A_56 = arith.constant dense<0.000000e+00> : vector<1024x1024xf32>
    %dot_general3A_57 = tpu.matmul %get3A_1, %get3A_55, %dot_general3A_56 {dimension_numbers = #tpu.dot_dimension_numbers<[1], [1], [0], [0], [0, 0, 1, 0], [], []>, transpose_lhs_hint = false} : vector<1024x256xf32>, vector<1024x256xf32>, vector<1024x1024xf32> -> vector<1024x1024xf32>
    %get3A_58 = arith.constant 0 : index
    %get3A_59 = arith.constant 3072 : index
    %get3A_60 = vector.load %arg2[%get3A_58, %get3A_59] : memref<1x8192xf32, #tpu.memory_space<vmem>>, vector<1x1024xf32>
    %add3A_61 = vector.broadcast %get3A_4 : vector<1024x1xf32> to vector<1024x1024xf32>
    %add3A_62 = vector.broadcast %get3A_60 : vector<1x1024xf32> to vector<1024x1024xf32>
    %add3A_63 = arith.addf %add3A_61, %add3A_62 : vector<1024x1024xf32>
    %mul3A_64 = arith.constant 2.000000e+00 : f32
    %mul3A_65 = vector.broadcast %mul3A_64 : f32 to vector<1024x1024xf32>
    %mul3A_66 = arith.mulf %mul3A_65, %dot_general3A_57 : vector<1024x1024xf32>
    %sub3A_67 = arith.subf %add3A_63, %mul3A_66 : vector<1024x1024xf32>
    %lt3A_68 = arith.cmpf olt, %sub3A_67, %min3A_49 : vector<1024x1024xf32>
    %min3A_69 = arith.minimumf %min3A_49, %sub3A_67 : vector<1024x1024xf32>
    %broadcast_in_dim3A_70 = arith.constant 3 : i32
    %broadcast_in_dim3A_71 = vector.broadcast %broadcast_in_dim3A_70 : i32 to vector<1024x1024xi32>
    %select_n3A_72 = arith.select %lt3A_68, %broadcast_in_dim3A_71, %select_n3A_52 : vector<1024x1024xi1>, vector<1024x1024xi32>
    %get3A_73 = arith.constant 4096 : index
    %get3A_74 = arith.constant 0 : index
    %get3A_75 = vector.load %arg4[%get3A_73, %get3A_74] : memref<8192x256xf32, #tpu.memory_space<vmem>>, vector<1024x256xf32>
    %dot_general3A_76 = arith.constant dense<0.000000e+00> : vector<1024x1024xf32>
    %dot_general3A_77 = tpu.matmul %get3A_1, %get3A_75, %dot_general3A_76 {dimension_numbers = #tpu.dot_dimension_numbers<[1], [1], [0], [0], [0, 0, 1, 0], [], []>, transpose_lhs_hint = false} : vector<1024x256xf32>, vector<1024x256xf32>, vector<1024x1024xf32> -> vector<1024x1024xf32>
    %get3A_78 = arith.constant 0 : index
    %get3A_79 = arith.constant 4096 : index
    %get3A_80 = vector.load %arg2[%get3A_78, %get3A_79] : memref<1x8192xf32, #tpu.memory_space<vmem>>, vector<1x1024xf32>
    %add3A_81 = vector.broadcast %get3A_4 : vector<1024x1xf32> to vector<1024x1024xf32>
    %add3A_82 = vector.broadcast %get3A_80 : vector<1x1024xf32> to vector<1024x1024xf32>
    %add3A_83 = arith.addf %add3A_81, %add3A_82 : vector<1024x1024xf32>
    %mul3A_84 = arith.constant 2.000000e+00 : f32
    %mul3A_85 = vector.broadcast %mul3A_84 : f32 to vector<1024x1024xf32>
    %mul3A_86 = arith.mulf %mul3A_85, %dot_general3A_77 : vector<1024x1024xf32>
    %sub3A_87 = arith.subf %add3A_83, %mul3A_86 : vector<1024x1024xf32>
    %lt3A_88 = arith.cmpf olt, %sub3A_87, %min3A_69 : vector<1024x1024xf32>
    %min3A_89 = arith.minimumf %min3A_69, %sub3A_87 : vector<1024x1024xf32>
    %broadcast_in_dim3A_90 = arith.constant 4 : i32
    %broadcast_in_dim3A_91 = vector.broadcast %broadcast_in_dim3A_90 : i32 to vector<1024x1024xi32>
    %select_n3A_92 = arith.select %lt3A_88, %broadcast_in_dim3A_91, %select_n3A_72 : vector<1024x1024xi1>, vector<1024x1024xi32>
    %get3A_93 = arith.constant 5120 : index
    %get3A_94 = arith.constant 0 : index
    %get3A_95 = vector.load %arg4[%get3A_93, %get3A_94] : memref<8192x256xf32, #tpu.memory_space<vmem>>, vector<1024x256xf32>
    %dot_general3A_96 = arith.constant dense<0.000000e+00> : vector<1024x1024xf32>
    %dot_general3A_97 = tpu.matmul %get3A_1, %get3A_95, %dot_general3A_96 {dimension_numbers = #tpu.dot_dimension_numbers<[1], [1], [0], [0], [0, 0, 1, 0], [], []>, transpose_lhs_hint = false} : vector<1024x256xf32>, vector<1024x256xf32>, vector<1024x1024xf32> -> vector<1024x1024xf32>
    %get3A_98 = arith.constant 0 : index
    %get3A_99 = arith.constant 5120 : index
    %get3A_100 = vector.load %arg2[%get3A_98, %get3A_99] : memref<1x8192xf32, #tpu.memory_space<vmem>>, vector<1x1024xf32>
    %add3A_101 = vector.broadcast %get3A_4 : vector<1024x1xf32> to vector<1024x1024xf32>
    %add3A_102 = vector.broadcast %get3A_100 : vector<1x1024xf32> to vector<1024x1024xf32>
    %add3A_103 = arith.addf %add3A_101, %add3A_102 : vector<1024x1024xf32>
    %mul3A_104 = arith.constant 2.000000e+00 : f32
    %mul3A_105 = vector.broadcast %mul3A_104 : f32 to vector<1024x1024xf32>
    %mul3A_106 = arith.mulf %mul3A_105, %dot_general3A_97 : vector<1024x1024xf32>
    %sub3A_107 = arith.subf %add3A_103, %mul3A_106 : vector<1024x1024xf32>
    %lt3A_108 = arith.cmpf olt, %sub3A_107, %min3A_89 : vector<1024x1024xf32>
    %min3A_109 = arith.minimumf %min3A_89, %sub3A_107 : vector<1024x1024xf32>
    %broadcast_in_dim3A_110 = arith.constant 5 : i32
    %broadcast_in_dim3A_111 = vector.broadcast %broadcast_in_dim3A_110 : i32 to vector<1024x1024xi32>
    %select_n3A_112 = arith.select %lt3A_108, %broadcast_in_dim3A_111, %select_n3A_92 : vector<1024x1024xi1>, vector<1024x1024xi32>
    %get3A_113 = arith.constant 6144 : index
    %get3A_114 = arith.constant 0 : index
    %get3A_115 = vector.load %arg4[%get3A_113, %get3A_114] : memref<8192x256xf32, #tpu.memory_space<vmem>>, vector<1024x256xf32>
    %dot_general3A_116 = arith.constant dense<0.000000e+00> : vector<1024x1024xf32>
    %dot_general3A_117 = tpu.matmul %get3A_1, %get3A_115, %dot_general3A_116 {dimension_numbers = #tpu.dot_dimension_numbers<[1], [1], [0], [0], [0, 0, 1, 0], [], []>, transpose_lhs_hint = false} : vector<1024x256xf32>, vector<1024x256xf32>, vector<1024x1024xf32> -> vector<1024x1024xf32>
    %get3A_118 = arith.constant 0 : index
    %get3A_119 = arith.constant 6144 : index
    %get3A_120 = vector.load %arg2[%get3A_118, %get3A_119] : memref<1x8192xf32, #tpu.memory_space<vmem>>, vector<1x1024xf32>
    %add3A_121 = vector.broadcast %get3A_4 : vector<1024x1xf32> to vector<1024x1024xf32>
    %add3A_122 = vector.broadcast %get3A_120 : vector<1x1024xf32> to vector<1024x1024xf32>
    %add3A_123 = arith.addf %add3A_121, %add3A_122 : vector<1024x1024xf32>
    %mul3A_124 = arith.constant 2.000000e+00 : f32
    %mul3A_125 = vector.broadcast %mul3A_124 : f32 to vector<1024x1024xf32>
    %mul3A_126 = arith.mulf %mul3A_125, %dot_general3A_117 : vector<1024x1024xf32>
    %sub3A_127 = arith.subf %add3A_123, %mul3A_126 : vector<1024x1024xf32>
    %lt3A_128 = arith.cmpf olt, %sub3A_127, %min3A_109 : vector<1024x1024xf32>
    %min3A_129 = arith.minimumf %min3A_109, %sub3A_127 : vector<1024x1024xf32>
    %broadcast_in_dim3A_130 = arith.constant 6 : i32
    %broadcast_in_dim3A_131 = vector.broadcast %broadcast_in_dim3A_130 : i32 to vector<1024x1024xi32>
    %select_n3A_132 = arith.select %lt3A_128, %broadcast_in_dim3A_131, %select_n3A_112 : vector<1024x1024xi1>, vector<1024x1024xi32>
    %get3A_133 = arith.constant 7168 : index
    %get3A_134 = arith.constant 0 : index
    %get3A_135 = vector.load %arg4[%get3A_133, %get3A_134] : memref<8192x256xf32, #tpu.memory_space<vmem>>, vector<1024x256xf32>
    %dot_general3A_136 = arith.constant dense<0.000000e+00> : vector<1024x1024xf32>
    %dot_general3A_137 = tpu.matmul %get3A_1, %get3A_135, %dot_general3A_136 {dimension_numbers = #tpu.dot_dimension_numbers<[1], [1], [0], [0], [0, 0, 1, 0], [], []>, transpose_lhs_hint = false} : vector<1024x256xf32>, vector<1024x256xf32>, vector<1024x1024xf32> -> vector<1024x1024xf32>
    %get3A_138 = arith.constant 0 : index
    %get3A_139 = arith.constant 7168 : index
    %get3A_140 = vector.load %arg2[%get3A_138, %get3A_139] : memref<1x8192xf32, #tpu.memory_space<vmem>>, vector<1x1024xf32>
    %add3A_141 = vector.broadcast %get3A_4 : vector<1024x1xf32> to vector<1024x1024xf32>
    %add3A_142 = vector.broadcast %get3A_140 : vector<1x1024xf32> to vector<1024x1024xf32>
    %add3A_143 = arith.addf %add3A_141, %add3A_142 : vector<1024x1024xf32>
    %mul3A_144 = arith.constant 2.000000e+00 : f32
    %mul3A_145 = vector.broadcast %mul3A_144 : f32 to vector<1024x1024xf32>
    %mul3A_146 = arith.mulf %mul3A_145, %dot_general3A_137 : vector<1024x1024xf32>
    %sub3A_147 = arith.subf %add3A_143, %mul3A_146 : vector<1024x1024xf32>
    %lt3A_148 = arith.cmpf olt, %sub3A_147, %min3A_129 : vector<1024x1024xf32>
    %min3A_149 = arith.minimumf %min3A_129, %sub3A_147 : vector<1024x1024xf32>
    %broadcast_in_dim3A_150 = arith.constant 7 : i32
    %broadcast_in_dim3A_151 = vector.broadcast %broadcast_in_dim3A_150 : i32 to vector<1024x1024xi32>
    %select_n3A_152 = arith.select %lt3A_148, %broadcast_in_dim3A_151, %select_n3A_132 : vector<1024x1024xi1>, vector<1024x1024xi32>
    %reduce_min3A = arith.constant dense<0x7F800000> : vector<1024xf32>
    %reduce_min3A_153 = vector.multi_reduction <minimumf>, %min3A_149, %reduce_min3A [1] : vector<1024x1024xf32> to vector<1024xf32>
    %broadcast_in_dim3A_154 = vector.shape_cast %reduce_min3A_153 : vector<1024xf32> to vector<1024x1xf32>
    %iota3A = tpu.iota {dimensions = array<i32: 1>} : vector<1024x1024xi32>
    %shift_left3A = arith.constant 10 : i32
    %shift_left3A_155 = vector.broadcast %shift_left3A : i32 to vector<1024x1024xi32>
    %shift_left3A_156 = arith.shli %select_n3A_152, %shift_left3A_155 : vector<1024x1024xi32>
    %add3A_157 = arith.addi %shift_left3A_156, %iota3A : vector<1024x1024xi32>
    %eq3A = vector.broadcast %broadcast_in_dim3A_154 : vector<1024x1xf32> to vector<1024x1024xf32>
    %eq3A_158 = arith.cmpf oeq, %min3A_149, %eq3A : vector<1024x1024xf32>
    %jit3A_159 = arith.constant 8192 : i32
    %broadcast_in_dim3A_160 = vector.broadcast %jit3A_159 : i32 to vector<1024x1024xi32>
    %select_n3A_161 = arith.select %eq3A_158, %add3A_157, %broadcast_in_dim3A_160 : vector<1024x1024xi1>, vector<1024x1024xi32>
    %reduce_min3A_162 = arith.constant dense<2147483647> : vector<1024xi32>
    %reduce_min3A_163 = vector.multi_reduction <minsi>, %select_n3A_161, %reduce_min3A_162 [1] : vector<1024x1024xi32> to vector<1024xi32>
    %swap3A = arith.constant 0 : index
    %swap3A_164 = vector.load %arg5[%swap3A] : memref<1024xi32, #tpu.memory_space<vmem>>, vector<1024xi32>
    tpu.vector_store %arg5[%swap3A], %reduce_min3A_163 {strides = array<i32>} : memref<1024xi32, #tpu.memory_space<vmem>>, vector<1024xi32>,
    %reduce_sum3A = vector.shape_cast %broadcast_in_dim3A_154 : vector<1024x1xf32> to vector<1x1024x1xf32>
    %reduce_sum3A_165 = arith.constant dense<0.000000e+00> : vector<1xf32>
    %reduce_sum3A_166 = vector.multi_reduction <add>, %reduce_sum3A, %reduce_sum3A_165 [1, 2] : vector<1x1024x1xf32> to vector<1xf32>
    %reduce_sum3A_167 = vector.shape_cast %reduce_sum3A_166 : vector<1xf32> to vector<1x1x1xf32>
    %reduce_sum3A_168 = vector.extract %reduce_sum3A_167[0, 0, 0] : f32 from vector<1x1x1xf32>
    %broadcast_in_dim3A_169 = vector.broadcast %reduce_sum3A_168 : f32 to vector<1x1x128xf32>
    %swap3A_170 = arith.constant 0 : index
    %swap3A_171 = arith.constant 0 : index
    %swap3A_172 = arith.constant 0 : index
    %swap3A_173 = vector.load %arg6[%swap3A_170, %swap3A_171, %swap3A_172] : memref<1x1x128xf32, #tpu.memory_space<vmem>>, vector<1x1x128xf32>
    tpu.vector_store %arg6[%swap3A_170, %swap3A_171, %swap3A_172], %broadcast_in_dim3A_169 {strides = array<i32>} : memref<1x1x128xf32, #tpu.memory_space<vmem>>, vector<1x1x128xf32>,
    return
  }
  func.func @transform_0(%arg0: i32) -> (i32, i32) {
    %c0_i32 = arith.constant 0 : i32
    %c0_i32_0 = arith.constant 0 : i32
    return %arg0, %c0_i32 : i32, i32
  }
  func.func @transform_1(%arg0: i32) -> (i32, i32) {
    %c0_i32 = arith.constant 0 : i32
    %c0_i32_0 = arith.constant 0 : i32
    %c0_i32_1 = arith.constant 0 : i32
    return %c0_i32, %c0_i32_0 : i32, i32
  }
  func.func @transform_2(%arg0: i32) -> (i32, i32) {
    %c0_i32 = arith.constant 0 : i32
    %c0_i32_0 = arith.constant 0 : i32
    return %arg0, %c0_i32 : i32, i32
  }
  func.func @transform_3(%arg0: i32) -> (i32, i32) {
    %c0_i32 = arith.constant 0 : i32
    %c0_i32_0 = arith.constant 0 : i32
    %c0_i32_1 = arith.constant 0 : i32
    return %c0_i32, %c0_i32_0 : i32, i32
  }
  func.func @transform_4(%arg0: i32) -> i32 {
    %c0_i32 = arith.constant 0 : i32
    return %arg0 : i32
  }
  func.func @transform_5(%arg0: i32) -> (i32, i32, i32) {
    %c0_i32 = arith.constant 0 : i32
    %c0_i32_0 = arith.constant 0 : i32
    %c0_i32_1 = arith.constant 0 : i32
    return %arg0, %c0_i32, %c0_i32_0 : i32, i32, i32
  }
}

module attributes {stable_mosaic.version = 14 : i64} {
  func.func @_trans_body(%arg0: i32, %arg1: memref<1024x256xf32, #tpu.memory_space<vmem>>, %arg2: memref<1x256x1024xf32, #tpu.memory_space<vmem>>) attributes {dimension_semantics = [#tpu.dimension_semantics<arbitrary>], iteration_bounds = array<i64: 8>, scalar_prefetch = 0 : i64, scratch_operands = 0 : i64, tpu.core_type = #tpu.core_type<tc>, window_params = [{transform_indices = @transform_0, window_bounds = array<i64: 1024, 256>}, {transform_indices = @transform_1, window_bounds = array<i64: 1, 256, 1024>}]} {
    %get3A = arith.constant 0 : index
    %get3A_0 = arith.constant 0 : index
    %get3A_1 = vector.load %arg1[%get3A, %get3A_0] : memref<1024x256xf32, #tpu.memory_space<vmem>>, vector<1024x256xf32>
    %transpose3A = tpu.transpose %get3A_1, [1, 0] : vector<1024x256xf32> -> vector<256x1024xf32>
    %swap3A = arith.constant 0 : index
    %swap3A_2 = arith.constant 0 : index
    %swap3A_3 = arith.constant 0 : index
    %swap3A_4 = vector.load %arg2[%swap3A, %swap3A_2, %swap3A_3] : memref<1x256x1024xf32, #tpu.memory_space<vmem>>, vector<1x256x1024xf32>
    %swap3A_5 = vector.shape_cast %swap3A_4 : vector<1x256x1024xf32> to vector<256x1024xf32>
    %swap3A_6 = vector.shape_cast %transpose3A : vector<256x1024xf32> to vector<1x256x1024xf32>
    tpu.vector_store %arg2[%swap3A, %swap3A_2, %swap3A_3], %swap3A_6 {strides = array<i32>} : memref<1x256x1024xf32, #tpu.memory_space<vmem>>, vector<1x256x1024xf32>,
    return
  }
  func.func @transform_0(%arg0: i32) -> (i32, i32) {
    %c0_i32 = arith.constant 0 : i32
    %c0_i32_0 = arith.constant 0 : i32
    return %arg0, %c0_i32 : i32, i32
  }
  func.func @transform_1(%arg0: i32) -> (i32, i32, i32) {
    %c0_i32 = arith.constant 0 : i32
    %c0_i32_0 = arith.constant 0 : i32
    %c0_i32_1 = arith.constant 0 : i32
    return %arg0, %c0_i32, %c0_i32_0 : i32, i32, i32
  }
}

</mosaic_0001>

<sc_bundles>
// kernel: kernel.5.cloned.1.call-start
scs
__scs_entry_jumppad:
0x0: {  	(pc) =	sbr.rel $0x88, $3  }
0x1: {  	(tag) =	ssettag $0x0;
	lr =	simm.s32 $0x1  }
0x2: {  	[smem:$0x3F9F] =	sst lr;
	_ =	strace $0xD0000000  }
0x3: {  	_ = 	snop  }
0x4: {  	_ = 	snop  }
0x5: {  	_ = 	snop  }
0x6: {  	_ = 	snop  }
0x7: {  	_ = 	snop  }
__scs_overlays_trampoline_lowered:
0x8: {  	[smem:$0x3FAE] =	sst s0  }
0x9: {  	[smem:$0x3FAF] =	sst s1  }
0xa: {  	[smem:$0x3FB0] =	sst s2  }
0xb: {  	[smem:$0x3FB1] =	sst s3  }
0xc: {  	[smem:$0x3FB2] =	sst s4  }
0xd: {  	[smem:$0x3FB3] =	sst s5  }
0xe: {  	[smem:$0x3FB4] =	sst s6  }
0xf: {  	[smem:$0x3FB5] =	sst s7  }
0x10: {  	[smem:$0x3FB6] =	sst s8  }
0x11: {  	[smem:$0x3FB7] =	sst s9;
	s0 =	simm.s32 @!p0 $0x0  }
0x12: {  	s1 =	sld [smem:$0x3F9D];
	s0 =	simm.s32 @p0 $0x1  }
0x13: {  	[smem:$0x3FB8] =	sst s0;
	s0 =	simm.s32 @!p1 $0x0  }
0x14: {  	s2 =	sld [smem:$0x3F9C];
	s0 =	simm.s32 @p1 $0x1  }
0x15: {  	[smem:$0x3FB9] =	sst s0;
	s0 =	simm.s32 @!p2 $0x0  }
0x16: {  	s3 =	sld [smem:$0x3FDB];
	s0 =	simm.s32 @p2 $0x1  }
0x17: {  	s4 =	simm.s32 $0x1BF5;
	[smem:$0x3FBB] =	sst s0  }
0x18: {  	s0 =	sld [smem:$0x3F9E];
	_ =	swait.ge [sflag:s4], $0x0  }
0x19: {  	s7 =	sld [smem:$0x3F9F]  }
0x1a: {  	s8 =	sadd.s32 $0xFFFFE003, lr  }
0x1b: {  	s9 =	sadd.s32 $0xFFFFFEF7, lr;
	s5 =	simm.s32 $0xFFFFFFFF;
	p2 =	slt.u32 s8, $0xFFFFF086  }
0x1c: {  	p1 =	slt.u32 s9, $0xF7A;
	s5 =	simm.s32 @!p2 $0x0  }
0x1d: {  	s5 =	simm.s32 @p1 $0x1;
	p0 =	seq.s32 s7, s2  }
0x1e: {  	s7 =	smul.u32 @!p0 $0xF7A, s2;
	p2 =	seq.s32 @!p0 s5, $0x0  }
0x1f: {  	s9 =	smul.u32 $0xF7A, s1;
	s8 =	simm.s32 @!p0 $0x1BF5;
	p2 =	por !p2, p0  }
0x20: {  	[sflag:s8] =	ssyncset.s32 @!p0 $0xFFFFF086;
	s6 =	sadd.s32 @!p0 s3, s7;
	s7 =	simm.s32 @!p0 $0x108  }
0x21: {  	s3 =	sadd.s32 s3, s9;
	s6 =	sadd.s32 @!p0 $0x88, s6;
	s7 =	simm.s32 @p2 $0x1082  }
0x22: {  	[simem:s7], [sflag:s8] =	dma.local @!p0 [hbm:s6], $0xF7A  }
0x23: {  	s9 =	sor.u32 $0xD0000000, s2;
	s6 =	simm.s32 $0x108;
	_ =	swait.ge @!p0 [sflag:s8], $0x0  }
0x24: {  	s3 =	sadd.s32 $0x88, s3;
	s6 =	simm.s32 @!p1 $0x1082;
	[sflag:s4] =	ssyncset.s32 $0xFFFFF086  }
0x25: {  	[simem:s6], [sflag:s4] =	dma.local [hbm:s3], $0xF7A  }
0x26: {  	[smem:$0x3F9F] =	sst s1;
	(tag) =	ssettag s2;
	_ =	strace s9  }
0x27: {  	s1 =	sld [smem:$0x3FAF]  }
0x28: {  	s2 =	sld [smem:$0x3FB0]  }
0x29: {  	s4 =	sld [smem:$0x3FB2]  }
0x2a: {  	p0 =	seq.s32 s5, $0x0;
	s5 =	sld [smem:$0x3FB3]  }
0x2b: {  	s6 =	sld [smem:$0x3FB4]  }
0x2c: {  	s7 =	sld [smem:$0x3FB5]  }
0x2d: {  	s3 =	simm.s32 $0x108;
	s8 =	sld [smem:$0x3FB6]  }
0x2e: {  	s3 =	simm.s32 @!p0 $0x1082;
	s9 =	sld [smem:$0x3FB7]  }
0x2f: {  	lr =	sadd.s32 s0, s3;
	s0 =	sld [smem:$0x3FAE]  }
0x30: {  	s3 =	sld [smem:$0x3FB1]  }
0x31: {  	[smem:$0x3FBA] =	sst s10  }
0x32: {  	s10 =	sld [smem:$0x3FB8];
	_ =	sdelay $0x3  }
0x33: {  	p0 =	seq.s32 s10, $0x1;
	s10 =	sld [smem:$0x3FBA];
	_ =	sdelay $0x3  }
0x34: {  	[smem:$0x3FBA] =	sst s10  }
0x35: {  	s10 =	sld [smem:$0x3FB9];
	_ =	sdelay $0x3  }
0x36: {  	p1 =	seq.s32 s10, $0x1;
	s10 =	sld [smem:$0x3FBA];
	_ =	sdelay $0x3  }
0x37: {  	[smem:$0x3FBA] =	sst s10  }
0x38: {  	s10 =	sld [smem:$0x3FBB]  }
0x39: {  	_ = 	snop;
	(pc) =	sbr.ind lr, $3  }
0x3a: {  	_ = 	snop  }
0x3b: {  	_ = 	snop  }
0x3c: {  	p2 =	seq.s32 s10, $0x1;
	s10 =	sld [smem:$0x3FBA]  }
0x3d: {  	_ =	shalt  }
0x3e: {  	_ =	shalt  }
0x3f: {  	_ =	shalt  }
0x40: {  	_ =	shalt  }
0x41: {  	_ =	shalt  }
0x42: {  	_ =	shalt  }
0x43: {  	_ =	shalt  }
0x44: {  	_ =	shalt  }
0x45: {  	_ =	shalt  }
0x46: {  	_ =	shalt  }
0x47: {  	_ =	shalt  }
0x48: {  	_ =	shalt  }
0x49: {  	_ =	shalt  }
0x4a: {  	_ =	shalt  }
0x4b: {  	_ =	shalt  }
0x4c: {  	_ =	shalt  }
0x4d: {  	_ =	shalt  }
0x4e: {  	_ =	shalt  }
0x4f: {  	_ =	shalt  }
0x50: {  	_ =	shalt  }
0x51: {  	_ =	shalt  }
0x52: {  	_ =	shalt  }
0x53: {  	_ =	shalt  }
0x54: {  	_ =	shalt  }
0x55: {  	_ =	shalt  }
0x56: {  	_ =	shalt  }
0x57: {  	_ =	shalt  }
0x58: {  	_ =	shalt  }
0x59: {  	_ =	shalt  }
0x5a: {  	_ =	shalt  }
0x5b: {  	_ =	shalt  }
0x5c: {  	_ =	shalt  }
0x5d: {  	_ =	shalt  }
0x5e: {  	_ =	shalt  }
0x5f: {  	_ =	shalt  }
0x60: {  	_ =	shalt  }
0x61: {  	_ =	shalt  }
0x62: {  	_ =	shalt  }
0x63: {  	_ =	shalt  }
0x64: {  	_ =	shalt  }
0x65: {  	_ =	shalt  }
0x66: {  	_ =	shalt  }
0x67: {  	_ =	shalt  }
0x68: {  	_ =	shalt  }
0x69: {  	_ =	shalt  }
0x6a: {  	_ =	shalt  }
0x6b: {  	_ =	shalt  }
0x6c: {  	_ =	shalt  }
0x6d: {  	_ =	shalt  }
0x6e: {  	_ =	shalt  }
0x6f: {  	_ =	shalt  }
0x70: {  	_ =	shalt  }
0x71: {  	_ =	shalt  }
0x72: {  	_ =	shalt  }
0x73: {  	_ =	shalt  }
0x74: {  	_ =	shalt  }
0x75: {  	_ =	shalt  }
0x76: {  	_ =	shalt  }
0x77: {  	_ =	shalt  }
0x78: {  	_ =	shalt  }
0x79: {  	_ =	shalt  }
0x7a: {  	_ =	shalt  }
0x7b: {  	_ =	shalt  }
0x7c: {  	_ =	shalt  }
0x7d: {  	_ =	shalt  }
0x7e: {  	_ =	shalt  }
0x7f: {  	_ =	shalt  }
0x80: {  	_ =	shalt  }
0x81: {  	_ =	shalt  }
0x82: {  	_ =	shalt  }
0x83: {  	_ =	shalt  }
0x84: {  	_ =	shalt  }
0x85: {  	_ =	shalt  }
0x86: {  	_ =	shalt  }
0x87: {  	_ =	shalt  }
.Lfunc_end0:
.L_simem_size_0:
called_computation_lowered:
.L_overlay_start_0:
0x88: {  	s2 =	sld [smem:$0x3FD9]  }
0x89: {  	s3 =	sld [smem:$0x3FFE];
	_ =	sdelay $0x1  }
0x8a: {  	s1 =	srdreg.scid  }
0x8b: {  	s0 =	sand.u32 $0x1, s1  }
0x8c: {  	s15 =	sshll.u32 s0, $0xA;
	s2 =	sadd.s32 s3, s2  }
0x8d: {  	s2 =	sadd.s32 s2, s15  }
0x8e: {  	[smem:$0x3FC6] =	sst s2  }
0x8f: {  	_ = 	snop  }
0x90: {  	s2 =	sld [smem:$0x3FD0];
	_ =	sdelay $0x2  }
0x91: {  	s4 =	simm.s32 $0xA;
	s5 =	simm.s32 $0x10;
	s16 =	sld [smem:$0x3FC8]  }
0x92: {  	[smem:s5], [sflag:s4] =	dma.local [hbm:s2], $0x1  }
0x93: {  	_ =	swait.eq [sflag:s4], $0x1  }
0x94: {  	[sflag:s4] =	ssyncset.done $0x0  }
0x95: {  	s17 =	sld [smem:$0x11];
	[sflag:s4] =	ssyncadd.s32 $0xFFFFFFFF  }
0x96: {  	s18 =	sld [smem:$0x12];
	(tm) =	ssettm $0x1  }
0x97: {  	s19 =	sld [smem:$0x3FFB];
	_ =	sdelay $0x3  }
0x98: {  	_ =	strace s19  }
0x99: {  	s5 =	sld [smem:$0x3FFC];
	_ =	sdelay $0x3  }
0x9a: {  	_ =	strace s5  }
0x9b: {  	s5 =	sld [smem:$0x3FFD];
	_ =	sdelay $0x3  }
0x9c: {  	_ =	strace s5  }
0x9d: {  	_ =	strace $0x8FFFFFFF  }
0x9e: {  	s20 =	sld [smem:$0x3FDB];
	_ =	sdelay $0x1  }
0x9f: {  	s6 =	simm.s32 $_scs_section_size  }
0xa0: {  	s7 =	simm.s32 $_size__tile_overlayer_lowered;
	s8 =	simm.s32 $_tile_overlayer_lowered  }
0xa1: {  	s23 =	simm.s32 $0x1BFF;
	s22 =	sshll.u32 s8, $0x1;
	s5 =	sadd.s32 s6, s20  }
0xa2: {  	s9 =	simm.s32 $0x0;
	s21 =	sshll.u32 s7, $0x1;
	s7 =	sadd.s32 s22, s5  }
0xa3: {  	[timem:s9], [sflag:s23] =	dma.local [hbm:s7], s21  }
0xa4: {  	_ =	swait.ge [sflag:s23], s21  }
0xa5: {  	s6 =	ssub.s32 $0x0, s21;
	[sflag:s23] =	ssyncset.done $0x0  }
0xa6: {  	[sflag:s23] =	ssyncadd.s32 s6;
	_ =	sdelay $0x1  }
0xa7: {  	s24 =	simm.s32 $0x1B8B  }
0xa8: {  	_ =	swait.ge [sflag:s24], $0x1  }
0xa9: {  	[sflag:s24] =	ssyncset.done $0x0  }
0xaa: {  	s25 =	simm.s32 $0x1B8E;
	[sflag:s24] =	ssyncadd.s32 $0xFFFFFFFF  }
0xab: {  	s26 =	simm.s32 $execute0_lowered;
	[smem:$0x3FD2] =	sst s25  }
0xac: {  	s6 =	sshll.u32 s26, $0x1;
	_ =	strace $0x80000046;
	[dreg:$0x1] =	wrdreg $0xFFFFFFFF  }
0xad: {  	s28 =	simm.s32 $_size_execute0_lowered;
	s5 =	sadd.s32 s5, s6;
	[dreg:$0x0] =	wrdreg $0x0  }
0xae: {  	s6 =	sshll.u32 s28, $0x1;
	[dreg:$0x2] =	wrdreg s5  }
0xaf: {  	[dreg:$0x3] =	wrdreg s6  }
0xb0: {  	[dreg:$0x4] =	wrdreg $0xC0  }
0xb1: {  	_ =	task [dreg:s9], $0x5FFFF  }
0xb2: {  	[dreg:$0x1] =	wrdreg $0xFFFFFFFF  }
0xb3: {  	[dreg:$0x0] =	wrdreg $0x60  }
0xb4: {  	[dreg:$0x2] =	wrdreg s16  }
0xb5: {  	[dreg:$0x3] =	wrdreg s18  }
0xb6: {  	[dreg:$0x4] =	wrdreg s17  }
0xb7: {  	[dreg:$0x5] =	wrdreg $0x9  }
0xb8: {  	_ =	task.clear_ibuf [dreg:s9], $0x6FFFF;
	_ =	strace $0x90000046  }
0xb9: {  	s29 =	simm.s32 $0x9;
	_ =	strace $0x80000048  }
0xba: {  	_ =	swait.ge [sflag:s29], $0x1  }
0xbb: {  	[sflag:s29] =	ssyncadd.s32 $0xFFFFFFFF  }
0xbc: {  	_ =	strace $0x90000048  }
0xbd: {  	_ =	sfence  }
0xbe: {  	s30 =	sld [smem:$0x0];
	_ =	sdelay $0x2  }
0xbf: {  	s31 =	sshll.u32 s1, $0xD;
	s1 =	sshrl.u32 s1, $0x2  }
0xc0: {  	s3 =	sand.u32 $0x4000, s31;
	s1 =	sadd.s32 s1, s30  }
0xc1: {  	s0 =	sor.u32 s3, s0;
	s1 =	sshll.u32 s1, $0x11  }
0xc2: {  	s0 =	sor.u32 s1, s0  }
0xc3: {  	s0 =	sadd.s32 $0x8F2B, s0  }
0xc4: {  	[sflag:s0] =	ssyncadd.remote.s32 $0x1  }
0xc5: {  	_ =	sfence.sel $0xFFFF  }
0xc6: {  	[dreg:$0x0] =	wrdreg $0xFFFFFFFF;
	(pc) =	sbr.abs _section_cstart, $3  }
0xc7: {  	[dreg:$0x1] =	wrdreg $0xFFFFFFFF  }
0xc8: {  	_ =	task.clear_ibuf [dreg:s9], $0x2FFFF;
	_ =	strace $0x9FFFFFFF  }
0xc9: {  	(tm) =	ssettm $0x7FFFFFFF  }
tec
execute0_lowered:
.L_overlay_start_1:
0x0: {  	(tag) =	ssettag $0x1  }
0x1: {  	s1 =	rddreg [dreg:$0x0]  }
0x2: {  	s2 =	srdreg.scid;
	s4 =	rddreg [dreg:$0x1]  }
0x3: {  	s0 =	stileid.u32;
	s6 =	rddreg [dreg:$0x2];
	s17 =	simm.s32 $0x80  }
0x4: {  	s18 =	simm.s32 $0x900;
	s19 =	simm.s32 $0x1100;
	s20 =	simm.s32 $0x1900  }
0x5: {  	s21 =	simm.s32 $0x2100;
	s22 =	simm.s32 $0x2900;
	s24 =	simm.s32 $0x3100  }
0x6: {  	s25 =	simm.s32 $0x3900;
	s26 =	simm.s32 $0x4100;
	s2 =	sand.u32 $0x1, s2  }
0x7: {  	s9 =	simm.s32 $0x5100;
	s3 =	sshll.u32 s0, $0x9;
	s5 =	sshll.u32 s2, $0x8  }
0x8: {  	s10 =	simm.s32 $0x5900;
	s5 =	sor.u32 s5, s3;
	s3 =	simm.s32 $0x0  }
0x9: {  	s11 =	simm.s32 $0x6100;
	s12 =	simm.s32 $0x6900;
	[smem:$0x7FF] =	sst s3  }
0xa: {  	s13 =	simm.s32 $0x7100;
	_ =	strace $0x80000047;
	[dreg:$0x6] =	wrdreg s17  }
0xb: {  	s14 =	simm.s32 $0x7900;
	s15 =	simm.s32 $0x8100;
	[dreg:$0x7] =	wrdreg s18  }
0xc: {  	s16 =	simm.s32 $0x8900;
	s28 =	simm.s32 $0xE100;
	[dreg:$0x8] =	wrdreg s19  }
0xd: {  	s29 =	simm.s32 $0xE900;
	s30 =	simm.s32 $0xF100;
	[dreg:$0x9] =	wrdreg s20  }
0xe: {  	s31 =	simm.s32 $0xF900;
	s2 =	ssub.s32 $0x2, s2;
	[dreg:$0xa] =	wrdreg s21  }
0xf: {  	s23 =	sshrl.u32 s2, $0x1;
	s7 =	sshrl.u32 s5, $0x3;
	[dreg:$0xb] =	wrdreg s22  }
0x10: {  	s5 =	sshll.u32 s5, $0x5;
	s2 =	ssub.s32 s2, s23;
	[dreg:$0xc] =	wrdreg s24  }
0x11: {  	s23 =	simm.s32 $0xC100;
	s4 =	sadd.s32 s4, s7;
	[dreg:$0xd] =	wrdreg s25  }
0x12: {  	s5 =	sadd.s32 s6, s5;
	s6 =	simm.s32 $0x2;
	[dreg:$0xe] =	wrdreg s26  }
0x13: {  	s17 =	simm.s32 $0x9100;
	s18 =	simm.s32 $0x9900;
	s19 =	simm.s32 $0xA100  }
0x14: {  	s20 =	simm.s32 $0xA900;
	s21 =	simm.s32 $0xB100;
	s22 =	simm.s32 $0xB900  }
0x15: {  	v2 =	vlaneseq.u32;
	s24 =	simm.s32 $0xC900;
	s25 =	simm.s32 $0xD100;
	s26 =	simm.s32 $0xD900  }
0x16: {  	vm0 =	vmmov $0xffff;
	v1 =	vshrl.u32 v2, $0x3;
	s7 =	sadd.s32 $0x10, s4;
	[dreg:$0x5] =	wrdreg s5;
	s5 =	smax.u32 s2, $0x1  }
0x17: {  	v0 =	vand.u32 $0x7, v2;
	v2 =	vor.u32 $0x8, v2;
	v1 =	vmul.u32 $0x8, v1;
	s2 =	simm.s32 $0x1;
	[dreg:$0x4] =	wrdreg s7;
	s7 =	simm.s32 $0x100  }
.LBB2_1:
0x18: {  	[tilespmem:s3], [sflag:$0x2] =	stream.linear.gather [hbm4b:s4+s3], $0x80, $0x38;
	[tilespmem:$0x10100] =	vst v63  }
0x19: {  	_ =	swait.ge [sflag:s6], $0x80  }
0x1a: {  	s0 =	rddreg [dreg:$0x4];
	[sflag:s6] =	ssyncset.done $0x0  }
0x1b: {  	s8 =	rddreg [dreg:$0x6];
	[sflag:s6] =	ssyncadd.s32 $0xFFFFFF80  }
0x1c: {  	[tilespmem:s8], [sflag:$0x2] =	stream.linear.gather [hbm4b:s0+s3], $0x80, $0x38;
	[tilespmem:$0x10100] =	vst v63  }
0x1d: {  	_ =	swait.ge [sflag:s6], $0x80  }
0x1e: {  	[sflag:s6] =	ssyncset.done $0x0  }
0x1f: {  	[sflag:s6] =	ssyncadd.s32 $0xFFFFFF80  }
0x20: {  	v3 =	vld [tilespmem:$0x0];
	_ =	sdelay $0x4  }
0x21: {  	v4 =	vshll.u32 v3, $0x1  }
0x22: {  	v3 =	vand.u32 $0x7, v3;
	v4 =	vand.u32 $0xFFFFFFF0, v4  }
0x23: {  	v3 =	vor.u32 v3, v4  }
0x24: {  	v4 =	vperm.xlane v3, v0;
	_ =	sdelay $0x1  }
0x25: {  	v3 =	vperm.xlane v3, v2;
	v4 =	vadd.s32 v1, v4;
	_ =	sdelay $0x1  }
0x26: {  	v3 =	vadd.s32 v1, v3;
	_ =	sdelay $0x2  }
0x27: {  	[tilespmem:s7], [sflag:$0x1] =	stream.indirect_vreg.gather [hbm4b:s1+s3], $0x80, v4, vm0, $0xb8;
	[tilespmem:$0x10100] =	vst v63  }
0x28: {  	s8 =	rddreg [dreg:$0x7]  }
0x29: {  	[tilespmem:s8], [sflag:$0x1] =	stream.indirect_vreg.gather [hbm4b:s1+s3], $0x80, v3, vm0, $0xb8;
	[tilespmem:$0x10100] =	vst v63  }
0x2a: {  	v3 =	vld [tilespmem:$0x10];
	_ =	sdelay $0x4  }
0x2b: {  	v49 =	vshll.u32 v3, $0x1  }
0x2c: {  	v3 =	vand.u32 $0x7, v3;
	v4 =	vand.u32 $0xFFFFFFF0, v49  }
0x2d: {  	v3 =	vor.u32 v3, v4  }
0x2e: {  	v4 =	vperm.xlane v3, v0;
	_ =	sdelay $0x1  }
0x2f: {  	v3 =	vperm.xlane v3, v2;
	v4 =	vadd.s32 v1, v4;
	_ =	sdelay $0x1  }
0x30: {  	v3 =	vadd.s32 v1, v3;
	_ =	sdelay $0x1  }
0x31: {  	s0 =	rddreg [dreg:$0x8]  }
0x32: {  	[tilespmem:s0], [sflag:$0x1] =	stream.indirect_vreg.gather [hbm4b:s1+s3], $0x80, v4, vm0, $0xb8;
	[tilespmem:$0x10100] =	vst v63  }
0x33: {  	s8 =	rddreg [dreg:$0x9]  }
0x34: {  	[tilespmem:s8], [sflag:$0x1] =	stream.indirect_vreg.gather [hbm4b:s1+s3], $0x80, v3, vm0, $0xb8;
	[tilespmem:$0x10100] =	vst v63  }
0x35: {  	v3 =	vld [tilespmem:$0x20];
	_ =	sdelay $0x4  }
0x36: {  	v50 =	vshll.u32 v3, $0x1  }
0x37: {  	v3 =	vand.u32 $0x7, v3;
	v4 =	vand.u32 $0xFFFFFFF0, v50  }
0x38: {  	v3 =	vor.u32 v3, v4  }
0x39: {  	v4 =	vperm.xlane v3, v0;
	_ =	sdelay $0x1  }
0x3a: {  	v3 =	vperm.xlane v3, v2;
	v4 =	vadd.s32 v1, v4;
	_ =	sdelay $0x1  }
0x3b: {  	v3 =	vadd.s32 v1, v3;
	_ =	sdelay $0x1  }
0x3c: {  	s0 =	rddreg [dreg:$0xa]  }
0x3d: {  	[tilespmem:s0], [sflag:$0x1] =	stream.indirect_vreg.gather [hbm4b:s1+s3], $0x80, v4, vm0, $0xb8;
	[tilespmem:$0x10100] =	vst v63  }
0x3e: {  	s8 =	rddreg [dreg:$0xb]  }
0x3f: {  	[tilespmem:s8], [sflag:$0x1] =	stream.indirect_vreg.gather [hbm4b:s1+s3], $0x80, v3, vm0, $0xb8;
	[tilespmem:$0x10100] =	vst v63  }
0x40: {  	v3 =	vld [tilespmem:$0x30];
	_ =	sdelay $0x4  }
0x41: {  	v51 =	vshll.u32 v3, $0x1  }
0x42: {  	v3 =	vand.u32 $0x7, v3;
	v4 =	vand.u32 $0xFFFFFFF0, v51  }
0x43: {  	v3 =	vor.u32 v3, v4  }
0x44: {  	v4 =	vperm.xlane v3, v0;
	_ =	sdelay $0x1  }
0x45: {  	v3 =	vperm.xlane v3, v2;
	v4 =	vadd.s32 v1, v4;
	_ =	sdelay $0x1  }
0x46: {  	v3 =	vadd.s32 v1, v3;
	_ =	sdelay $0x1  }
0x47: {  	s0 =	rddreg [dreg:$0xc]  }
0x48: {  	[tilespmem:s0], [sflag:$0x1] =	stream.indirect_vreg.gather [hbm4b:s1+s3], $0x80, v4, vm0, $0xb8;
	[tilespmem:$0x10100] =	vst v63  }
0x49: {  	s8 =	rddreg [dreg:$0xd]  }
0x4a: {  	[tilespmem:s8], [sflag:$0x1] =	stream.indirect_vreg.gather [hbm4b:s1+s3], $0x80, v3, vm0, $0xb8;
	[tilespmem:$0x10100] =	vst v63  }
0x4b: {  	v3 =	vld [tilespmem:$0x40];
	_ =	sdelay $0x4  }
0x4c: {  	v52 =	vshll.u32 v3, $0x1  }
0x4d: {  	v3 =	vand.u32 $0x7, v3;
	v4 =	vand.u32 $0xFFFFFFF0, v52  }
0x4e: {  	v3 =	vor.u32 v3, v4  }
0x4f: {  	v4 =	vperm.xlane v3, v0;
	_ =	sdelay $0x1  }
0x50: {  	v3 =	vperm.xlane v3, v2;
	v4 =	vadd.s32 v1, v4;
	_ =	sdelay $0x1  }
0x51: {  	v3 =	vadd.s32 v1, v3;
	_ =	sdelay $0x1  }
0x52: {  	s8 =	rddreg [dreg:$0xe]  }
0x53: {  	[tilespmem:s8], [sflag:$0x1] =	stream.indirect_vreg.gather [hbm4b:s1+s3], $0x80, v4, vm0, $0xb8;
	[tilespmem:$0x10100] =	vst v63  }
0x54: {  	s8 =	simm.s32 $0x4900  }
0x55: {  	[tilespmem:s8], [sflag:$0x1] =	stream.indirect_vreg.gather [hbm4b:s1+s3], $0x80, v3, vm0, $0xb8;
	[tilespmem:$0x10100] =	vst v63  }
0x56: {  	v3 =	vld [tilespmem:$0x50];
	_ =	sdelay $0x4  }
0x57: {  	v53 =	vshll.u32 v3, $0x1  }
0x58: {  	v3 =	vand.u32 $0x7, v3;
	v4 =	vand.u32 $0xFFFFFFF0, v53  }
0x59: {  	v3 =	vor.u32 v3, v4  }
0x5a: {  	v4 =	vperm.xlane v3, v0;
	_ =	sdelay $0x1  }
0x5b: {  	v3 =	vperm.xlane v3, v2;
	v4 =	vadd.s32 v1, v4;
	_ =	sdelay $0x1  }
0x5c: {  	v3 =	vadd.s32 v1, v3;
	_ =	sdelay $0x2  }
0x5d: {  	[tilespmem:s9], [sflag:$0x1] =	stream.indirect_vreg.gather [hbm4b:s1+s3], $0x80, v4, vm0, $0xb8;
	[tilespmem:$0x10100] =	vst v63  }
0x5e: {  	_ = 	snop  }
0x5f: {  	[tilespmem:s10], [sflag:$0x1] =	stream.indirect_vreg.gather [hbm4b:s1+s3], $0x80, v3, vm0, $0xb8;
	[tilespmem:$0x10100] =	vst v63  }
0x60: {  	v3 =	vld [tilespmem:$0x60];
	_ =	sdelay $0x4  }
0x61: {  	v54 =	vshll.u32 v3, $0x1  }
0x62: {  	v3 =	vand.u32 $0x7, v3;
	v4 =	vand.u32 $0xFFFFFFF0, v54  }
0x63: {  	v3 =	vor.u32 v3, v4  }
0x64: {  	v4 =	vperm.xlane v3, v0;
	_ =	sdelay $0x1  }
0x65: {  	v3 =	vperm.xlane v3, v2;
	v4 =	vadd.s32 v1, v4;
	_ =	sdelay $0x1  }
0x66: {  	v3 =	vadd.s32 v1, v3;
	_ =	sdelay $0x2  }
0x67: {  	[tilespmem:s11], [sflag:$0x1] =	stream.indirect_vreg.gather [hbm4b:s1+s3], $0x80, v4, vm0, $0xb8;
	[tilespmem:$0x10100] =	vst v63  }
0x68: {  	_ = 	snop  }
0x69: {  	[tilespmem:s12], [sflag:$0x1] =	stream.indirect_vreg.gather [hbm4b:s1+s3], $0x80, v3, vm0, $0xb8;
	[tilespmem:$0x10100] =	vst v63  }
0x6a: {  	v3 =	vld [tilespmem:$0x70];
	_ =	sdelay $0x4  }
0x6b: {  	v55 =	vshll.u32 v3, $0x1  }
0x6c: {  	v3 =	vand.u32 $0x7, v3;
	v4 =	vand.u32 $0xFFFFFFF0, v55  }
0x6d: {  	v3 =	vor.u32 v3, v4  }
0x6e: {  	v4 =	vperm.xlane v3, v0;
	_ =	sdelay $0x1  }
0x6f: {  	v3 =	vperm.xlane v3, v2;
	v4 =	vadd.s32 v1, v4;
	_ =	sdelay $0x1  }
0x70: {  	v3 =	vadd.s32 v1, v3;
	_ =	sdelay $0x2  }
0x71: {  	[tilespmem:s13], [sflag:$0x1] =	stream.indirect_vreg.gather [hbm4b:s1+s3], $0x80, v4, vm0, $0xb8;
	[tilespmem:$0x10100] =	vst v63  }
0x72: {  	_ = 	snop  }
0x73: {  	[tilespmem:s14], [sflag:$0x1] =	stream.indirect_vreg.gather [hbm4b:s1+s3], $0x80, v3, vm0, $0xb8;
	[tilespmem:$0x10100] =	vst v63  }
0x74: {  	v3 =	vld [tilespmem:$0x80];
	_ =	sdelay $0x4  }
0x75: {  	v56 =	vshll.u32 v3, $0x1  }
0x76: {  	v3 =	vand.u32 $0x7, v3;
	v4 =	vand.u32 $0xFFFFFFF0, v56  }
0x77: {  	v3 =	vor.u32 v3, v4  }
0x78: {  	v4 =	vperm.xlane v3, v0;
	_ =	sdelay $0x1  }
0x79: {  	v3 =	vperm.xlane v3, v2;
	v4 =	vadd.s32 v1, v4;
	_ =	sdelay $0x1  }
0x7a: {  	v3 =	vadd.s32 v1, v3;
	_ =	sdelay $0x2  }
0x7b: {  	[tilespmem:s15], [sflag:$0x1] =	stream.indirect_vreg.gather [hbm4b:s1+s3], $0x80, v4, vm0, $0xb8;
	[tilespmem:$0x10100] =	vst v63  }
0x7c: {  	_ = 	snop  }
0x7d: {  	[tilespmem:s16], [sflag:$0x1] =	stream.indirect_vreg.gather [hbm4b:s1+s3], $0x80, v3, vm0, $0xb8;
	[tilespmem:$0x10100] =	vst v63  }
0x7e: {  	v3 =	vld [tilespmem:$0x90];
	_ =	sdelay $0x4  }
0x7f: {  	v57 =	vshll.u32 v3, $0x1  }
0x80: {  	v3 =	vand.u32 $0x7, v3;
	v4 =	vand.u32 $0xFFFFFFF0, v57  }
0x81: {  	v3 =	vor.u32 v3, v4  }
0x82: {  	v4 =	vperm.xlane v3, v0;
	_ =	sdelay $0x1  }
0x83: {  	v3 =	vperm.xlane v3, v2;
	v4 =	vadd.s32 v1, v4;
	_ =	sdelay $0x1  }
0x84: {  	v3 =	vadd.s32 v1, v3;
	_ =	sdelay $0x2  }
0x85: {  	[tilespmem:s17], [sflag:$0x1] =	stream.indirect_vreg.gather [hbm4b:s1+s3], $0x80, v4, vm0, $0xb8;
	[tilespmem:$0x10100] =	vst v63  }
0x86: {  	_ = 	snop  }
0x87: {  	[tilespmem:s18], [sflag:$0x1] =	stream.indirect_vreg.gather [hbm4b:s1+s3], $0x80, v3, vm0, $0xb8;
	[tilespmem:$0x10100] =	vst v63  }
0x88: {  	v3 =	vld [tilespmem:$0xA0];
	_ =	sdelay $0x4  }
0x89: {  	v58 =	vshll.u32 v3, $0x1  }
0x8a: {  	v3 =	vand.u32 $0x7, v3;
	v4 =	vand.u32 $0xFFFFFFF0, v58  }
0x8b: {  	v3 =	vor.u32 v3, v4  }
0x8c: {  	v4 =	vperm.xlane v3, v0;
	_ =	sdelay $0x1  }
0x8d: {  	v3 =	vperm.xlane v3, v2;
	v4 =	vadd.s32 v1, v4;
	_ =	sdelay $0x1  }
0x8e: {  	v3 =	vadd.s32 v1, v3;
	_ =	sdelay $0x2  }
0x8f: {  	[tilespmem:s19], [sflag:$0x1] =	stream.indirect_vreg.gather [hbm4b:s1+s3], $0x80, v4, vm0, $0xb8;
	[tilespmem:$0x10100] =	vst v63  }
0x90: {  	_ = 	snop  }
0x91: {  	[tilespmem:s20], [sflag:$0x1] =	stream.indirect_vreg.gather [hbm4b:s1+s3], $0x80, v3, vm0, $0xb8;
	[tilespmem:$0x10100] =	vst v63  }
0x92: {  	v3 =	vld [tilespmem:$0xB0];
	_ =	sdelay $0x4  }
0x93: {  	v59 =	vshll.u32 v3, $0x1  }
0x94: {  	v3 =	vand.u32 $0x7, v3;
	v4 =	vand.u32 $0xFFFFFFF0, v59  }
0x95: {  	v3 =	vor.u32 v3, v4  }
0x96: {  	v4 =	vperm.xlane v3, v0;
	_ =	sdelay $0x1  }
0x97: {  	v3 =	vperm.xlane v3, v2;
	v4 =	vadd.s32 v1, v4;
	_ =	sdelay $0x1  }
0x98: {  	v3 =	vadd.s32 v1, v3;
	_ =	sdelay $0x2  }
0x99: {  	[tilespmem:s21], [sflag:$0x1] =	stream.indirect_vreg.gather [hbm4b:s1+s3], $0x80, v4, vm0, $0xb8;
	[tilespmem:$0x10100] =	vst v63  }
0x9a: {  	_ = 	snop  }
0x9b: {  	[tilespmem:s22], [sflag:$0x1] =	stream.indirect_vreg.gather [hbm4b:s1+s3], $0x80, v3, vm0, $0xb8;
	[tilespmem:$0x10100] =	vst v63  }
0x9c: {  	v3 =	vld [tilespmem:$0xC0];
	_ =	sdelay $0x4  }
0x9d: {  	v60 =	vshll.u32 v3, $0x1  }
0x9e: {  	v3 =	vand.u32 $0x7, v3;
	v4 =	vand.u32 $0xFFFFFFF0, v60  }
0x9f: {  	v3 =	vor.u32 v3, v4  }
0xa0: {  	v4 =	vperm.xlane v3, v0;
	_ =	sdelay $0x1  }
0xa1: {  	v3 =	vperm.xlane v3, v2;
	v4 =	vadd.s32 v1, v4;
	_ =	sdelay $0x1  }
0xa2: {  	v3 =	vadd.s32 v1, v3;
	_ =	sdelay $0x2  }
0xa3: {  	[tilespmem:s23], [sflag:$0x1] =	stream.indirect_vreg.gather [hbm4b:s1+s3], $0x80, v4, vm0, $0xb8;
	[tilespmem:$0x10100] =	vst v63  }
0xa4: {  	_ = 	snop  }
0xa5: {  	[tilespmem:s24], [sflag:$0x1] =	stream.indirect_vreg.gather [hbm4b:s1+s3], $0x80, v3, vm0, $0xb8;
	[tilespmem:$0x10100] =	vst v63  }
0xa6: {  	v3 =	vld [tilespmem:$0xD0];
	_ =	sdelay $0x4  }
0xa7: {  	v61 =	vshll.u32 v3, $0x1  }
0xa8: {  	v3 =	vand.u32 $0x7, v3;
	v4 =	vand.u32 $0xFFFFFFF0, v61  }
0xa9: {  	v3 =	vor.u32 v3, v4  }
0xaa: {  	v4 =	vperm.xlane v3, v0;
	_ =	sdelay $0x1  }
0xab: {  	v3 =	vperm.xlane v3, v2;
	v4 =	vadd.s32 v1, v4;
	_ =	sdelay $0x1  }
0xac: {  	v3 =	vadd.s32 v1, v3;
	_ =	sdelay $0x2  }
0xad: {  	[tilespmem:s25], [sflag:$0x1] =	stream.indirect_vreg.gather [hbm4b:s1+s3], $0x80, v4, vm0, $0xb8;
	[tilespmem:$0x10100] =	vst v63  }
0xae: {  	_ = 	snop  }
0xaf: {  	[tilespmem:s26], [sflag:$0x1] =	stream.indirect_vreg.gather [hbm4b:s1+s3], $0x80, v3, vm0, $0xb8;
	[tilespmem:$0x10100] =	vst v63  }
0xb0: {  	v3 =	vld [tilespmem:$0xE0];
	_ =	sdelay $0x4  }
0xb1: {  	v62 =	vshll.u32 v3, $0x1  }
0xb2: {  	v3 =	vand.u32 $0x7, v3;
	v4 =	vand.u32 $0xFFFFFFF0, v62  }
0xb3: {  	v3 =	vor.u32 v3, v4  }
0xb4: {  	v4 =	vperm.xlane v3, v0;
	_ =	sdelay $0x1  }
0xb5: {  	v3 =	vperm.xlane v3, v2;
	v4 =	vadd.s32 v1, v4;
	_ =	sdelay $0x1  }
0xb6: {  	v3 =	vadd.s32 v1, v3;
	_ =	sdelay $0x2  }
0xb7: {  	[tilespmem:s28], [sflag:$0x1] =	stream.indirect_vreg.gather [hbm4b:s1+s3], $0x80, v4, vm0, $0xb8;
	[tilespmem:$0x10100] =	vst v63  }
0xb8: {  	_ = 	snop  }
0xb9: {  	[tilespmem:s29], [sflag:$0x1] =	stream.indirect_vreg.gather [hbm4b:s1+s3], $0x80, v3, vm0, $0xb8;
	[tilespmem:$0x10100] =	vst v63  }
0xba: {  	v3 =	vld [tilespmem:$0xF0];
	_ =	sdelay $0x4  }
0xbb: {  	v63 =	vshll.u32 v3, $0x1  }
0xbc: {  	v3 =	vand.u32 $0x7, v3;
	v4 =	vand.u32 $0xFFFFFFF0, v63  }
0xbd: {  	v3 =	vor.u32 v3, v4  }
0xbe: {  	v4 =	vperm.xlane v3, v0;
	_ =	sdelay $0x1  }
0xbf: {  	v3 =	vperm.xlane v3, v2;
	v4 =	vadd.s32 v1, v4;
	_ =	sdelay $0x1  }
0xc0: {  	v3 =	vadd.s32 v1, v3;
	_ =	sdelay $0x2  }
0xc1: {  	[tilespmem:s30], [sflag:$0x1] =	stream.indirect_vreg.gather [hbm4b:s1+s3], $0x80, v4, vm0, $0xb8;
	[tilespmem:$0x10100] =	vst v63  }
0xc2: {  	_ = 	snop  }
0xc3: {  	[tilespmem:s31], [sflag:$0x1] =	stream.indirect_vreg.gather [hbm4b:s1+s3], $0x80, v3, vm0, $0xb8;
	[tilespmem:$0x10100] =	vst v63  }
0xc4: {  	_ =	swait.ge [sflag:s2], $0x8000  }
0xc5: {  	[sflag:s2] =	ssyncset.done $0x0  }
0xc6: {  	[sflag:s2] =	ssyncadd.s32 $0xFFFF8000  }
0xc7: {  	_ =	swait.ge [sflag:s2], $0x8000  }
0xc8: {  	p0 =	sne.s32 s5, $0x1;
	[sflag:s2] =	ssyncset.done $0x0  }
.Ltmp0:
0xc9: {  	s8 =	rddreg [dreg:$0x5];
	[sflag:s2] =	ssyncadd.s32 $0xFFFF8000;
	(pc) =	sbr.rel @p0 .LBB2_1-.Ltmp0, $4  }
0xca: {  	[hbm4b:s8+s3] =	stream.linear.scatter [tilespmem:s7], [sflag:$0x2], $0x10000, $0x38;
	[tilespmem:$0x10100] =	vst v63  }
0xcb: {  	_ =	swait.ge [sflag:s6], $0x10000  }
0xcc: {  	[sflag:s6] =	ssyncset.done $0x0  }
0xcd: {  	s5 =	sadd.s32 $0xFFFFFFFF, s5;
	[sflag:s6] =	ssyncadd.s32 $0xFFFF0000  }
0xce: {  	_ =	sfence.sel $0x180000  }
0xcf: {  	[bflag:$0x0] =	sbarrier.arrive $0xFFFF  }
0xd0: {  	_ =	strace $0x90000047  }
0xd1: {  	s0 =	stileid.u32;
	[bflag:$0x2] =	sbarrier.arrive $0xFFFF  }
0xd2: {  	p0 =	sne.s32 s0, $0x0;
	s0 =	rddreg [dreg:$0x3]  }
0xd3: {  	s0 =	sadd.s32 @!p0 $0x100000, s0  }
0xd4: {  	[sflag:s0] =	ssyncadd.tile.s32 @!p0 $0x1;
	_ =	shalt  }
.Lfunc_end2:
_tile_overlayer_lowered:
.L_overlay_start_2:
0xd5: {  	(tag) =	ssettag $0x2  }
0xd6: {  	s0 =	rddreg [dreg:$0x0];
	s2 =	stileid.u32  }
0xd7: {  	s1 =	rddreg [dreg:$0x1];
	p0 =	sne.s32 s2, $0x0  }
0xd8: {  	s3 =	rddreg [dreg:$0x2];
	[bflag:$0x3] =	sbarrier.arrive $0xFFFF;
	s2 =	simm.s32 @!p0 $0x1C02  }
0xd9: {  	[timem:s3], [sflag:s2] =	dma.local @!p0 [hbm:s0], s1  }
0xda: {  	s0 =	simm.s32 @!p0 $0x2  }
0xdb: {  	_ =	swait.ge @!p0 [sflag:s0], s1  }
0xdc: {  	s1 =	ssub.s32 @!p0 $0x0, s1;
	[sflag:s0] =	ssyncset.done @!p0 $0x0  }
0xdd: {  	[sflag:s0] =	ssyncadd.s32 @!p0 s1  }
0xde: {  	[bflag:$0x3] =	sbarrier.arrive $0xFFFF  }
0xdf: {  	_ =	shalt  }

</sc_bundles>
